<compile_context>
chip_gen: v7x
topology: tpu7x:2x2x1
jax: 0.10.2.dev20260603
libtpu: 0.0.44.dev20260713+nightly
codegen_flags: <defaults>
</compile_context>

<pallas_src>
import functools

import jax
import jax.numpy as jnp
from jax import lax
from jax.experimental import pallas as pl
from jax.experimental.pallas import tpu as pltpu
from jax.experimental.pallas import tpu_sc as plsc

_PAD_IDX = 100001
_NW = 32
_CW = 128


_NBUF = 2


def _emb_body(idx_hbm, len_hbm, table_hbm, emb_out, mask_out,
              idx_v, len_v, mask_v, rows_v, sem0, sem1, *, L, chunks):
    wid = lax.axis_index("s") * 2 + lax.axis_index("c")
    n_per_w = chunks * _CW
    sems = (sem0, sem1)

    pltpu.sync_copy(idx_hbm.at[wid], idx_v)
    pltpu.sync_copy(len_hbm, len_v)

    def compute_chunk(c, carry):
        flat0 = wid * n_per_w + c * _CW
        lanes = lax.iota(jnp.int32, 16)
        l_vec = jnp.full((16,), L, jnp.int32)
        pad_vec = jnp.full((16,), _PAD_IDX, jnp.int32)
        one_vec = jnp.full((16,), 1.0, jnp.float32)
        zero_vec = jnp.full((16,), 0.0, jnp.float32)
        for j in range(_CW // 16):
            flat = lanes + jnp.full((16,), flat0 + j * 16, jnp.int32)
            row = lax.div(flat, l_vec)
            pos = flat - row * l_vec
            lens = plsc.load_gather(len_v, [row])
            m = pos < lens
            mask_v[pl.ds(c * _CW + j * 16, 16)] = lax.select(m, one_vec, zero_vec)
            raw = idx_v[c, pl.ds(j * 16, 16)]
            idx_v[c, pl.ds(j * 16, 16)] = lax.select(m, raw, pad_vec)
        return carry

    lax.fori_loop(0, 1, compute_chunk, 0)
    mask_cp = pltpu.make_async_copy(mask_v, mask_out.at[wid], sem0)
    mask_cp.start()

    def gather_wait(b, c):
        pltpu.make_async_copy(table_hbm.at[idx_v.at[c]], rows_v.at[b],
                              sems[b]).wait()

    mask_cp.wait()
    for b in range(_NBUF):
        pltpu.async_copy(table_hbm.at[idx_v.at[b]], rows_v.at[b], sems[b])

    def outer(g, carry):
        for b in range(_NBUF):
            c = g * _NBUF + b
            gather_wait(b, c)
            pltpu.sync_copy(rows_v.at[b],
                            emb_out.at[pl.ds(wid * n_per_w + c * _CW, _CW)])
            nxt = c + _NBUF

            @pl.when(nxt < chunks)
            def _():
                pltpu.async_copy(table_hbm.at[idx_v.at[nxt]], rows_v.at[b],
                                 sems[b])
        return carry

    lax.fori_loop(0, chunks // _NBUF, outer, 0)


def kernel(indices, lengths, table):
    B, L = indices.shape
    V, D = table.shape
    total = B * L
    assert total % (_NW * _CW) == 0
    chunks = total // (_NW * _CW)
    n_per_w = chunks * _CW

    idx3 = indices.reshape(_NW, chunks, _CW).astype(jnp.int32)
    lengths_i = lengths.astype(jnp.int32)

    mesh = plsc.VectorSubcoreMesh(core_axis_name="c", subcore_axis_name="s")
    run = functools.partial(
        pl.kernel,
        mesh=mesh,
        compiler_params=pltpu.CompilerParams(needs_layout_passes=False),
        out_type=(
            jax.ShapeDtypeStruct((total, D), jnp.float32),
            jax.ShapeDtypeStruct((_NW, n_per_w), jnp.float32),
        ),
        scratch_types=[
            pltpu.VMEM((chunks, _CW), jnp.int32),
            pltpu.VMEM((B,), jnp.int32),
            pltpu.VMEM((n_per_w,), jnp.float32),
            pltpu.VMEM((_NBUF, _CW, D), jnp.float32),
            pltpu.SemaphoreType.DMA,
            pltpu.SemaphoreType.DMA,
        ],
    )(functools.partial(_emb_body, L=L, chunks=chunks))

    emb_flat, mask_flat = run(idx3, lengths_i, table)
    return (emb_flat.reshape(B, L, D), lengths,
            mask_flat.reshape(B, L))

# --- scband reference (transcript-rebuilt; emitter-appended) ---
"""Pipeline reference for scband-batch-word-embeddings-57930518888990 (READ-ONLY COPY).

The authoritative reference and input builder live on the scoring server;
editing this copy changes nothing except your own understanding.
"""

import jax, jax.numpy as jnp
import numpy as np

# BatchWordEmbeddings tensorized forward: the string-processing front-end
# (sentences2IndexesAndLens / sortAndPad) produces a padded int index matrix
# plus per-sequence lengths; the core compute is nn.Embedding lookup with a
# padding_idx row plus length mask construction. We model that tensor path.
VOCAB = 100000   # base word2ind size
EXTRA = 4        # <UNK>, <PAD>, <SOS>, <EOS> appended in __init__
PAD_IDX = VOCAB + 1  # '<PAD>' is the second special token appended
B = 1024
L = 200
D = 128


def setup_inputs(seed: int = 0) -> dict:
    key = jax.random.key(seed)
    k1, k2, k3 = jax.random.split(key, 3)
    indices = jax.random.randint(k1, (B, L), 0, VOCAB)
    lengths = jax.random.randint(k2, (B,), 1, L + 1)
    # sortAndPad sorts sequences by length descending (required by
    # pack_padded_sequence); emulate so lengths are monotonically decreasing.
    lengths = jnp.sort(lengths)[::-1]
    table = jax.random.normal(k3, (VOCAB + EXTRA, D), dtype=jnp.float32)
    table = table.at[PAD_IDX].set(0.0)  # padding_idx row initialized to zero
    return {"indices": indices, "lengths": lengths, "table": table}


def reference(indices, lengths, table):
    Lmax = indices.shape[1]
    # mask[i, l:] = 0 as in forward()
    mask = (jnp.arange(Lmax)[None, :] < lengths[:, None]).astype(jnp.float32)
    # positions beyond each sequence length hold the PAD index after
    # pad_sequence(padding_value=word2indx['<PAD>'])
    idx_eff = jnp.where(mask.astype(bool), indices, PAD_IDX)
    embeddings = jnp.take(table, idx_eff, axis=0)  # self.embeddings(padded)
    return embeddings, lengths, mask

if __name__ == "__main__":
    import jax
    _d = setup_inputs()
    print(jax.jit(kernel)(*tuple(_d.values())))

</pallas_src>

<mosaic_0001>
#map = affine_map<(d0, d1) -> (0, 0, 0)>
#map1 = affine_map<(d0, d1) -> (0)>
#map2 = affine_map<(d0, d1) -> (0, 0)>
module attributes {stable_mosaic.version = 14 : i64} {
  func.func @_emb_body(%arg0: i32, %arg1: i32, %arg2: memref<32x50x128xi32, #tpu.memory_space<hbm>>, %arg3: memref<1024xi32, #tpu.memory_space<hbm>>, %arg4: memref<100004x128xf32, #tpu.memory_space<hbm>>, %arg5: memref<204800x128xf32, #tpu.memory_space<hbm>>, %arg6: memref<32x6400xf32, #tpu.memory_space<hbm>>, %arg7: memref<50x128xi32, #tpu.memory_space<vmem>>, %arg8: memref<1024xi32, #tpu.memory_space<vmem>>, %arg9: memref<6400xf32, #tpu.memory_space<vmem>>, %arg10: memref<2x128x128xf32, #tpu.memory_space<vmem>>, %arg11: memref<!tpu.dma_semaphore, #tpu.memory_space<semaphore_mem>>, %arg12: memref<!tpu.dma_semaphore, #tpu.memory_space<semaphore_mem>>) attributes {dimension_semantics = [#tpu.dimension_semantics<core_parallel>, #tpu.dimension_semantics<subcore_parallel>], iteration_bounds = array<i64: 2, 16>, scalar_prefetch = 0 : i64, scratch_operands = 6 : i64, tpu.core_type = #tpu.core_type<sc_vector_subcore>, window_params = [{transform_indices = #map}, {transform_indices = #map1}, {transform_indices = #map2}, {transform_indices = #map2}, {transform_indices = #map2}]} {
    %mul3A = arith.constant 2 : i32
    %mul3A_0 = arith.muli %arg1, %mul3A : i32
    %add3A = arith.addi %mul3A_0, %arg0 : i32
    "tpu.region"() ({
      %run_scoped3A = tpu.sem_alloc : memref<!tpu.dma_semaphore, #tpu.memory_space<semaphore_mem>>
      %dma_start3A_232 = arith.constant 0 : i32
      %dma_start3A_233 = arith.constant 0 : i32
      %dma_start3A_234 = tpu.memref_slice %arg2[%add3A, %dma_start3A_232, %dma_start3A_233] : memref<32x50x128xi32, #tpu.memory_space<hbm>> -> memref<1x50x128xi32, #tpu.memory_space<hbm>>
      %dma_start3A_235 = tpu.memref_squeeze %dma_start3A_234 : memref<1x50x128xi32, #tpu.memory_space<hbm>> -> memref<50x128xi32, #tpu.memory_space<hbm>>
      %dma_start3A_236 = arith.constant 0 : i32
      %dma_start3A_237 = arith.constant 0 : i32
      %dma_start3A_238 = tpu.memref_slice %arg2[%add3A, %dma_start3A_236, %dma_start3A_237] : memref<32x50x128xi32, #tpu.memory_space<hbm>> -> memref<1x50x128xi32, #tpu.memory_space<hbm>>
      %dma_start3A_239 = tpu.memref_squeeze %dma_start3A_238 : memref<1x50x128xi32, #tpu.memory_space<hbm>> -> memref<50x128xi32, #tpu.memory_space<hbm>>
      tpu.enqueue_dma source(%dma_start3A_239 : memref<50x128xi32, #tpu.memory_space<hbm>>) target(%arg7 : memref<50x128xi32, #tpu.memory_space<vmem>>) target_semaphore(%run_scoped3A : memref<!tpu.dma_semaphore, #tpu.memory_space<semaphore_mem>>)
      %dma_wait3A_240 = arith.constant 0 : i32
      %dma_wait3A_241 = arith.constant 0 : i32
      %dma_wait3A_242 = tpu.memref_slice %arg2[%add3A, %dma_wait3A_240, %dma_wait3A_241] : memref<32x50x128xi32, #tpu.memory_space<hbm>> -> memref<1x50x128xi32, #tpu.memory_space<hbm>>
      %dma_wait3A_243 = tpu.memref_squeeze %dma_wait3A_242 : memref<1x50x128xi32, #tpu.memory_space<hbm>> -> memref<50x128xi32, #tpu.memory_space<hbm>>
      %dma_wait3A_244 = arith.constant 0 : i32
      %dma_wait3A_245 = arith.constant 0 : i32
      %dma_wait3A_246 = tpu.memref_slice %arg2[%add3A, %dma_wait3A_244, %dma_wait3A_245] : memref<32x50x128xi32, #tpu.memory_space<hbm>> -> memref<1x50x128xi32, #tpu.memory_space<hbm>>
      %dma_wait3A_247 = tpu.memref_squeeze %dma_wait3A_246 : memref<1x50x128xi32, #tpu.memory_space<hbm>> -> memref<50x128xi32, #tpu.memory_space<hbm>>
      tpu.wait_dma2 semaphore(%run_scoped3A : memref<!tpu.dma_semaphore, #tpu.memory_space<semaphore_mem>>) src(%dma_wait3A_247 : memref<50x128xi32, #tpu.memory_space<hbm>>) dst(%arg7 : memref<50x128xi32, #tpu.memory_space<vmem>>)
      tpu.yield
    }) : () -> ()
    "tpu.region"() ({
      %run_scoped3A = tpu.sem_alloc : memref<!tpu.dma_semaphore, #tpu.memory_space<semaphore_mem>>
      tpu.enqueue_dma source(%arg3 : memref<1024xi32, #tpu.memory_space<hbm>>) target(%arg8 : memref<1024xi32, #tpu.memory_space<vmem>>) target_semaphore(%run_scoped3A : memref<!tpu.dma_semaphore, #tpu.memory_space<semaphore_mem>>)
      tpu.wait_dma2 semaphore(%run_scoped3A : memref<!tpu.dma_semaphore, #tpu.memory_space<semaphore_mem>>) src(%arg3 : memref<1024xi32, #tpu.memory_space<hbm>>) dst(%arg8 : memref<1024xi32, #tpu.memory_space<vmem>>)
      tpu.yield
    }) : () -> ()
    %scan3A = arith.constant 0 : i32
    %scan3A_1 = arith.constant 0 : i32
    %mul3A_2 = arith.constant 6400 : i32
    %mul3A_3 = arith.muli %add3A, %mul3A_2 : i32
    %mul3A_4 = arith.constant 128 : i32
    %mul3A_5 = arith.muli %scan3A_1, %mul3A_4 : i32
    %add3A_6 = arith.addi %mul3A_3, %mul3A_5 : i32
    %iota3A = tpu.iota {dimensions = array<i32: 0>} : vector<16xi32>
    %broadcast_in_dim3A = arith.constant 200 : i32
    %broadcast_in_dim3A_7 = vector.broadcast %broadcast_in_dim3A : i32 to vector<16xi32>
    %broadcast_in_dim3A_8 = arith.constant 100001 : i32
    %broadcast_in_dim3A_9 = vector.broadcast %broadcast_in_dim3A_8 : i32 to vector<16xi32>
    %broadcast_in_dim3A_10 = arith.constant 1.000000e+00 : f32
    %broadcast_in_dim3A_11 = vector.broadcast %broadcast_in_dim3A_10 : f32 to vector<16xf32>
    %broadcast_in_dim3A_12 = arith.constant 0.000000e+00 : f32
    %broadcast_in_dim3A_13 = vector.broadcast %broadcast_in_dim3A_12 : f32 to vector<16xf32>
    %add3A_14 = arith.constant 0 : i32
    %add3A_15 = arith.addi %add3A_6, %add3A_14 : i32
    %broadcast_in_dim3A_16 = vector.broadcast %add3A_15 : i32 to vector<16xi32>
    %add3A_17 = arith.addi %iota3A, %broadcast_in_dim3A_16 : vector<16xi32>
    %div3A = arith.divsi %add3A_17, %broadcast_in_dim3A_7 : vector<16xi32>
    %mul3A_18 = arith.muli %div3A, %broadcast_in_dim3A_7 : vector<16xi32>
    %sub3A = arith.subi %add3A_17, %mul3A_18 : vector<16xi32>
    %gather3A = tpu.vector_load_idx %arg8[%div3A] : memref<1024xi32, #tpu.memory_space<vmem>>[vector<16xi32>], vector<16xi32>,
    %lt3A = arith.cmpi slt, %sub3A, %gather3A : vector<16xi32>
    %select_n3A = arith.select %lt3A, %broadcast_in_dim3A_11, %broadcast_in_dim3A_13 : vector<16xi1>, vector<16xf32>
    %mul3A_19 = arith.constant 128 : i32
    %mul3A_20 = arith.muli %scan3A_1, %mul3A_19 : i32
    %add3A_21 = arith.constant 0 : i32
    %add3A_22 = arith.addi %mul3A_20, %add3A_21 : i32
    %swap3A = arith.index_cast %add3A_22 : i32 to index
    %swap3A_23 = tpu.vector_load %arg9[%swap3A] {strides = array<i32>} : memref<6400xf32, #tpu.memory_space<vmem>>, vector<16xf32>,
    tpu.vector_store %arg9[%swap3A], %select_n3A {strides = array<i32>} : memref<6400xf32, #tpu.memory_space<vmem>>, vector<16xf32>,
    %get3A = arith.index_cast %scan3A_1 : i32 to index
    %get3A_24 = arith.constant 0 : index
    %get3A_25 = tpu.vector_load %arg7[%get3A, %get3A_24] {strides = array<i32>} : memref<50x128xi32, #tpu.memory_space<vmem>>, vector<16xi32>,
    %select_n3A_26 = arith.select %lt3A, %get3A_25, %broadcast_in_dim3A_9 : vector<16xi1>, vector<16xi32>
    %swap3A_27 = arith.index_cast %scan3A_1 : i32 to index
    %swap3A_28 = arith.constant 0 : index
    %swap3A_29 = tpu.vector_load %arg7[%swap3A_27, %swap3A_28] {strides = array<i32>} : memref<50x128xi32, #tpu.memory_space<vmem>>, vector<16xi32>,
    tpu.vector_store %arg7[%swap3A_27, %swap3A_28], %select_n3A_26 {strides = array<i32>} : memref<50x128xi32, #tpu.memory_space<vmem>>, vector<16xi32>,
    %add3A_30 = arith.constant 16 : i32
    %add3A_31 = arith.addi %add3A_6, %add3A_30 : i32
    %broadcast_in_dim3A_32 = vector.broadcast %add3A_31 : i32 to vector<16xi32>
    %add3A_33 = arith.addi %iota3A, %broadcast_in_dim3A_32 : vector<16xi32>
    %div3A_34 = arith.divsi %add3A_33, %broadcast_in_dim3A_7 : vector<16xi32>
    %mul3A_35 = arith.muli %div3A_34, %broadcast_in_dim3A_7 : vector<16xi32>
    %sub3A_36 = arith.subi %add3A_33, %mul3A_35 : vector<16xi32>
    %gather3A_37 = tpu.vector_load_idx %arg8[%div3A_34] : memref<1024xi32, #tpu.memory_space<vmem>>[vector<16xi32>], vector<16xi32>,
    %lt3A_38 = arith.cmpi slt, %sub3A_36, %gather3A_37 : vector<16xi32>
    %select_n3A_39 = arith.select %lt3A_38, %broadcast_in_dim3A_11, %broadcast_in_dim3A_13 : vector<16xi1>, vector<16xf32>
    %mul3A_40 = arith.constant 128 : i32
    %mul3A_41 = arith.muli %scan3A_1, %mul3A_40 : i32
    %add3A_42 = arith.constant 16 : i32
    %add3A_43 = arith.addi %mul3A_41, %add3A_42 : i32
    %swap3A_44 = arith.index_cast %add3A_43 : i32 to index
    %swap3A_45 = tpu.vector_load %arg9[%swap3A_44] {strides = array<i32>} : memref<6400xf32, #tpu.memory_space<vmem>>, vector<16xf32>,
    tpu.vector_store %arg9[%swap3A_44], %select_n3A_39 {strides = array<i32>} : memref<6400xf32, #tpu.memory_space<vmem>>, vector<16xf32>,
    %get3A_46 = arith.index_cast %scan3A_1 : i32 to index
    %get3A_47 = arith.constant 16 : index
    %get3A_48 = tpu.vector_load %arg7[%get3A_46, %get3A_47] {strides = array<i32>} : memref<50x128xi32, #tpu.memory_space<vmem>>, vector<16xi32>,
    %select_n3A_49 = arith.select %lt3A_38, %get3A_48, %broadcast_in_dim3A_9 : vector<16xi1>, vector<16xi32>
    %swap3A_50 = arith.index_cast %scan3A_1 : i32 to index
    %swap3A_51 = arith.constant 16 : index
    %swap3A_52 = tpu.vector_load %arg7[%swap3A_50, %swap3A_51] {strides = array<i32>} : memref<50x128xi32, #tpu.memory_space<vmem>>, vector<16xi32>,
    tpu.vector_store %arg7[%swap3A_50, %swap3A_51], %select_n3A_49 {strides = array<i32>} : memref<50x128xi32, #tpu.memory_space<vmem>>, vector<16xi32>,
    %add3A_53 = arith.constant 32 : i32
    %add3A_54 = arith.addi %add3A_6, %add3A_53 : i32
    %broadcast_in_dim3A_55 = vector.broadcast %add3A_54 : i32 to vector<16xi32>
    %add3A_56 = arith.addi %iota3A, %broadcast_in_dim3A_55 : vector<16xi32>
    %div3A_57 = arith.divsi %add3A_56, %broadcast_in_dim3A_7 : vector<16xi32>
    %mul3A_58 = arith.muli %div3A_57, %broadcast_in_dim3A_7 : vector<16xi32>
    %sub3A_59 = arith.subi %add3A_56, %mul3A_58 : vector<16xi32>
    %gather3A_60 = tpu.vector_load_idx %arg8[%div3A_57] : memref<1024xi32, #tpu.memory_space<vmem>>[vector<16xi32>], vector<16xi32>,
    %lt3A_61 = arith.cmpi slt, %sub3A_59, %gather3A_60 : vector<16xi32>
    %select_n3A_62 = arith.select %lt3A_61, %broadcast_in_dim3A_11, %broadcast_in_dim3A_13 : vector<16xi1>, vector<16xf32>
    %mul3A_63 = arith.constant 128 : i32
    %mul3A_64 = arith.muli %scan3A_1, %mul3A_63 : i32
    %add3A_65 = arith.constant 32 : i32
    %add3A_66 = arith.addi %mul3A_64, %add3A_65 : i32
    %swap3A_67 = arith.index_cast %add3A_66 : i32 to index
    %swap3A_68 = tpu.vector_load %arg9[%swap3A_67] {strides = array<i32>} : memref<6400xf32, #tpu.memory_space<vmem>>, vector<16xf32>,
    tpu.vector_store %arg9[%swap3A_67], %select_n3A_62 {strides = array<i32>} : memref<6400xf32, #tpu.memory_space<vmem>>, vector<16xf32>,
    %get3A_69 = arith.index_cast %scan3A_1 : i32 to index
    %get3A_70 = arith.constant 32 : index
    %get3A_71 = tpu.vector_load %arg7[%get3A_69, %get3A_70] {strides = array<i32>} : memref<50x128xi32, #tpu.memory_space<vmem>>, vector<16xi32>,
    %select_n3A_72 = arith.select %lt3A_61, %get3A_71, %broadcast_in_dim3A_9 : vector<16xi1>, vector<16xi32>
    %swap3A_73 = arith.index_cast %scan3A_1 : i32 to index
    %swap3A_74 = arith.constant 32 : index
    %swap3A_75 = tpu.vector_load %arg7[%swap3A_73, %swap3A_74] {strides = array<i32>} : memref<50x128xi32, #tpu.memory_space<vmem>>, vector<16xi32>,
    tpu.vector_store %arg7[%swap3A_73, %swap3A_74], %select_n3A_72 {strides = array<i32>} : memref<50x128xi32, #tpu.memory_space<vmem>>, vector<16xi32>,
    %add3A_76 = arith.constant 48 : i32
    %add3A_77 = arith.addi %add3A_6, %add3A_76 : i32
    %broadcast_in_dim3A_78 = vector.broadcast %add3A_77 : i32 to vector<16xi32>
    %add3A_79 = arith.addi %iota3A, %broadcast_in_dim3A_78 : vector<16xi32>
    %div3A_80 = arith.divsi %add3A_79, %broadcast_in_dim3A_7 : vector<16xi32>
    %mul3A_81 = arith.muli %div3A_80, %broadcast_in_dim3A_7 : vector<16xi32>
    %sub3A_82 = arith.subi %add3A_79, %mul3A_81 : vector<16xi32>
    %gather3A_83 = tpu.vector_load_idx %arg8[%div3A_80] : memref<1024xi32, #tpu.memory_space<vmem>>[vector<16xi32>], vector<16xi32>,
    %lt3A_84 = arith.cmpi slt, %sub3A_82, %gather3A_83 : vector<16xi32>
    %select_n3A_85 = arith.select %lt3A_84, %broadcast_in_dim3A_11, %broadcast_in_dim3A_13 : vector<16xi1>, vector<16xf32>
    %mul3A_86 = arith.constant 128 : i32
    %mul3A_87 = arith.muli %scan3A_1, %mul3A_86 : i32
    %add3A_88 = arith.constant 48 : i32
    %add3A_89 = arith.addi %mul3A_87, %add3A_88 : i32
    %swap3A_90 = arith.index_cast %add3A_89 : i32 to index
    %swap3A_91 = tpu.vector_load %arg9[%swap3A_90] {strides = array<i32>} : memref<6400xf32, #tpu.memory_space<vmem>>, vector<16xf32>,
    tpu.vector_store %arg9[%swap3A_90], %select_n3A_85 {strides = array<i32>} : memref<6400xf32, #tpu.memory_space<vmem>>, vector<16xf32>,
    %get3A_92 = arith.index_cast %scan3A_1 : i32 to index
    %get3A_93 = arith.constant 48 : index
    %get3A_94 = tpu.vector_load %arg7[%get3A_92, %get3A_93] {strides = array<i32>} : memref<50x128xi32, #tpu.memory_space<vmem>>, vector<16xi32>,
    %select_n3A_95 = arith.select %lt3A_84, %get3A_94, %broadcast_in_dim3A_9 : vector<16xi1>, vector<16xi32>
    %swap3A_96 = arith.index_cast %scan3A_1 : i32 to index
    %swap3A_97 = arith.constant 48 : index
    %swap3A_98 = tpu.vector_load %arg7[%swap3A_96, %swap3A_97] {strides = array<i32>} : memref<50x128xi32, #tpu.memory_space<vmem>>, vector<16xi32>,
    tpu.vector_store %arg7[%swap3A_96, %swap3A_97], %select_n3A_95 {strides = array<i32>} : memref<50x128xi32, #tpu.memory_space<vmem>>, vector<16xi32>,
    %add3A_99 = arith.constant 64 : i32
    %add3A_100 = arith.addi %add3A_6, %add3A_99 : i32
    %broadcast_in_dim3A_101 = vector.broadcast %add3A_100 : i32 to vector<16xi32>
    %add3A_102 = arith.addi %iota3A, %broadcast_in_dim3A_101 : vector<16xi32>
    %div3A_103 = arith.divsi %add3A_102, %broadcast_in_dim3A_7 : vector<16xi32>
    %mul3A_104 = arith.muli %div3A_103, %broadcast_in_dim3A_7 : vector<16xi32>
    %sub3A_105 = arith.subi %add3A_102, %mul3A_104 : vector<16xi32>
    %gather3A_106 = tpu.vector_load_idx %arg8[%div3A_103] : memref<1024xi32, #tpu.memory_space<vmem>>[vector<16xi32>], vector<16xi32>,
    %lt3A_107 = arith.cmpi slt, %sub3A_105, %gather3A_106 : vector<16xi32>
    %select_n3A_108 = arith.select %lt3A_107, %broadcast_in_dim3A_11, %broadcast_in_dim3A_13 : vector<16xi1>, vector<16xf32>
    %mul3A_109 = arith.constant 128 : i32
    %mul3A_110 = arith.muli %scan3A_1, %mul3A_109 : i32
    %add3A_111 = arith.constant 64 : i32
    %add3A_112 = arith.addi %mul3A_110, %add3A_111 : i32
    %swap3A_113 = arith.index_cast %add3A_112 : i32 to index
    %swap3A_114 = tpu.vector_load %arg9[%swap3A_113] {strides = array<i32>} : memref<6400xf32, #tpu.memory_space<vmem>>, vector<16xf32>,
    tpu.vector_store %arg9[%swap3A_113], %select_n3A_108 {strides = array<i32>} : memref<6400xf32, #tpu.memory_space<vmem>>, vector<16xf32>,
    %get3A_115 = arith.index_cast %scan3A_1 : i32 to index
    %get3A_116 = arith.constant 64 : index
    %get3A_117 = tpu.vector_load %arg7[%get3A_115, %get3A_116] {strides = array<i32>} : memref<50x128xi32, #tpu.memory_space<vmem>>, vector<16xi32>,
    %select_n3A_118 = arith.select %lt3A_107, %get3A_117, %broadcast_in_dim3A_9 : vector<16xi1>, vector<16xi32>
    %swap3A_119 = arith.index_cast %scan3A_1 : i32 to index
    %swap3A_120 = arith.constant 64 : index
    %swap3A_121 = tpu.vector_load %arg7[%swap3A_119, %swap3A_120] {strides = array<i32>} : memref<50x128xi32, #tpu.memory_space<vmem>>, vector<16xi32>,
    tpu.vector_store %arg7[%swap3A_119, %swap3A_120], %select_n3A_118 {strides = array<i32>} : memref<50x128xi32, #tpu.memory_space<vmem>>, vector<16xi32>,
    %add3A_122 = arith.constant 80 : i32
    %add3A_123 = arith.addi %add3A_6, %add3A_122 : i32
    %broadcast_in_dim3A_124 = vector.broadcast %add3A_123 : i32 to vector<16xi32>
    %add3A_125 = arith.addi %iota3A, %broadcast_in_dim3A_124 : vector<16xi32>
    %div3A_126 = arith.divsi %add3A_125, %broadcast_in_dim3A_7 : vector<16xi32>
    %mul3A_127 = arith.muli %div3A_126, %broadcast_in_dim3A_7 : vector<16xi32>
    %sub3A_128 = arith.subi %add3A_125, %mul3A_127 : vector<16xi32>
    %gather3A_129 = tpu.vector_load_idx %arg8[%div3A_126] : memref<1024xi32, #tpu.memory_space<vmem>>[vector<16xi32>], vector<16xi32>,
    %lt3A_130 = arith.cmpi slt, %sub3A_128, %gather3A_129 : vector<16xi32>
    %select_n3A_131 = arith.select %lt3A_130, %broadcast_in_dim3A_11, %broadcast_in_dim3A_13 : vector<16xi1>, vector<16xf32>
    %mul3A_132 = arith.constant 128 : i32
    %mul3A_133 = arith.muli %scan3A_1, %mul3A_132 : i32
    %add3A_134 = arith.constant 80 : i32
    %add3A_135 = arith.addi %mul3A_133, %add3A_134 : i32
    %swap3A_136 = arith.index_cast %add3A_135 : i32 to index
    %swap3A_137 = tpu.vector_load %arg9[%swap3A_136] {strides = array<i32>} : memref<6400xf32, #tpu.memory_space<vmem>>, vector<16xf32>,
    tpu.vector_store %arg9[%swap3A_136], %select_n3A_131 {strides = array<i32>} : memref<6400xf32, #tpu.memory_space<vmem>>, vector<16xf32>,
    %get3A_138 = arith.index_cast %scan3A_1 : i32 to index
    %get3A_139 = arith.constant 80 : index
    %get3A_140 = tpu.vector_load %arg7[%get3A_138, %get3A_139] {strides = array<i32>} : memref<50x128xi32, #tpu.memory_space<vmem>>, vector<16xi32>,
    %select_n3A_141 = arith.select %lt3A_130, %get3A_140, %broadcast_in_dim3A_9 : vector<16xi1>, vector<16xi32>
    %swap3A_142 = arith.index_cast %scan3A_1 : i32 to index
    %swap3A_143 = arith.constant 80 : index
    %swap3A_144 = tpu.vector_load %arg7[%swap3A_142, %swap3A_143] {strides = array<i32>} : memref<50x128xi32, #tpu.memory_space<vmem>>, vector<16xi32>,
    tpu.vector_store %arg7[%swap3A_142, %swap3A_143], %select_n3A_141 {strides = array<i32>} : memref<50x128xi32, #tpu.memory_space<vmem>>, vector<16xi32>,
    %add3A_145 = arith.constant 96 : i32
    %add3A_146 = arith.addi %add3A_6, %add3A_145 : i32
    %broadcast_in_dim3A_147 = vector.broadcast %add3A_146 : i32 to vector<16xi32>
    %add3A_148 = arith.addi %iota3A, %broadcast_in_dim3A_147 : vector<16xi32>
    %div3A_149 = arith.divsi %add3A_148, %broadcast_in_dim3A_7 : vector<16xi32>
    %mul3A_150 = arith.muli %div3A_149, %broadcast_in_dim3A_7 : vector<16xi32>
    %sub3A_151 = arith.subi %add3A_148, %mul3A_150 : vector<16xi32>
    %gather3A_152 = tpu.vector_load_idx %arg8[%div3A_149] : memref<1024xi32, #tpu.memory_space<vmem>>[vector<16xi32>], vector<16xi32>,
    %lt3A_153 = arith.cmpi slt, %sub3A_151, %gather3A_152 : vector<16xi32>
    %select_n3A_154 = arith.select %lt3A_153, %broadcast_in_dim3A_11, %broadcast_in_dim3A_13 : vector<16xi1>, vector<16xf32>
    %mul3A_155 = arith.constant 128 : i32
    %mul3A_156 = arith.muli %scan3A_1, %mul3A_155 : i32
    %add3A_157 = arith.constant 96 : i32
    %add3A_158 = arith.addi %mul3A_156, %add3A_157 : i32
    %swap3A_159 = arith.index_cast %add3A_158 : i32 to index
    %swap3A_160 = tpu.vector_load %arg9[%swap3A_159] {strides = array<i32>} : memref<6400xf32, #tpu.memory_space<vmem>>, vector<16xf32>,
    tpu.vector_store %arg9[%swap3A_159], %select_n3A_154 {strides = array<i32>} : memref<6400xf32, #tpu.memory_space<vmem>>, vector<16xf32>,
    %get3A_161 = arith.index_cast %scan3A_1 : i32 to index
    %get3A_162 = arith.constant 96 : index
    %get3A_163 = tpu.vector_load %arg7[%get3A_161, %get3A_162] {strides = array<i32>} : memref<50x128xi32, #tpu.memory_space<vmem>>, vector<16xi32>,
    %select_n3A_164 = arith.select %lt3A_153, %get3A_163, %broadcast_in_dim3A_9 : vector<16xi1>, vector<16xi32>
    %swap3A_165 = arith.index_cast %scan3A_1 : i32 to index
    %swap3A_166 = arith.constant 96 : index
    %swap3A_167 = tpu.vector_load %arg7[%swap3A_165, %swap3A_166] {strides = array<i32>} : memref<50x128xi32, #tpu.memory_space<vmem>>, vector<16xi32>,
    tpu.vector_store %arg7[%swap3A_165, %swap3A_166], %select_n3A_164 {strides = array<i32>} : memref<50x128xi32, #tpu.memory_space<vmem>>, vector<16xi32>,
    %add3A_168 = arith.constant 112 : i32
    %add3A_169 = arith.addi %add3A_6, %add3A_168 : i32
    %broadcast_in_dim3A_170 = vector.broadcast %add3A_169 : i32 to vector<16xi32>
    %add3A_171 = arith.addi %iota3A, %broadcast_in_dim3A_170 : vector<16xi32>
    %div3A_172 = arith.divsi %add3A_171, %broadcast_in_dim3A_7 : vector<16xi32>
    %mul3A_173 = arith.muli %div3A_172, %broadcast_in_dim3A_7 : vector<16xi32>
    %sub3A_174 = arith.subi %add3A_171, %mul3A_173 : vector<16xi32>
    %gather3A_175 = tpu.vector_load_idx %arg8[%div3A_172] : memref<1024xi32, #tpu.memory_space<vmem>>[vector<16xi32>], vector<16xi32>,
    %lt3A_176 = arith.cmpi slt, %sub3A_174, %gather3A_175 : vector<16xi32>
    %select_n3A_177 = arith.select %lt3A_176, %broadcast_in_dim3A_11, %broadcast_in_dim3A_13 : vector<16xi1>, vector<16xf32>
    %mul3A_178 = arith.constant 128 : i32
    %mul3A_179 = arith.muli %scan3A_1, %mul3A_178 : i32
    %add3A_180 = arith.constant 112 : i32
    %add3A_181 = arith.addi %mul3A_179, %add3A_180 : i32
    %swap3A_182 = arith.index_cast %add3A_181 : i32 to index
    %swap3A_183 = tpu.vector_load %arg9[%swap3A_182] {strides = array<i32>} : memref<6400xf32, #tpu.memory_space<vmem>>, vector<16xf32>,
    tpu.vector_store %arg9[%swap3A_182], %select_n3A_177 {strides = array<i32>} : memref<6400xf32, #tpu.memory_space<vmem>>, vector<16xf32>,
    %get3A_184 = arith.index_cast %scan3A_1 : i32 to index
    %get3A_185 = arith.constant 112 : index
    %get3A_186 = tpu.vector_load %arg7[%get3A_184, %get3A_185] {strides = array<i32>} : memref<50x128xi32, #tpu.memory_space<vmem>>, vector<16xi32>,
    %select_n3A_187 = arith.select %lt3A_176, %get3A_186, %broadcast_in_dim3A_9 : vector<16xi1>, vector<16xi32>
    %swap3A_188 = arith.index_cast %scan3A_1 : i32 to index
    %swap3A_189 = arith.constant 112 : index
    %swap3A_190 = tpu.vector_load %arg7[%swap3A_188, %swap3A_189] {strides = array<i32>} : memref<50x128xi32, #tpu.memory_space<vmem>>, vector<16xi32>,
    tpu.vector_store %arg7[%swap3A_188, %swap3A_189], %select_n3A_187 {strides = array<i32>} : memref<50x128xi32, #tpu.memory_space<vmem>>, vector<16xi32>,
    %scan3A_191 = arith.constant 1 : i32
    %dma_start3A = arith.constant 0 : i32
    %dma_start3A_192 = tpu.memref_slice %arg6[%add3A, %dma_start3A] : memref<32x6400xf32, #tpu.memory_space<hbm>> -> memref<1x6400xf32, #tpu.memory_space<hbm>>
    %dma_start3A_193 = tpu.memref_squeeze %dma_start3A_192 : memref<1x6400xf32, #tpu.memory_space<hbm>> -> memref<6400xf32, #tpu.memory_space<hbm>>
    %dma_start3A_194 = arith.constant 0 : i32
    %dma_start3A_195 = tpu.memref_slice %arg6[%add3A, %dma_start3A_194] : memref<32x6400xf32, #tpu.memory_space<hbm>> -> memref<1x6400xf32, #tpu.memory_space<hbm>>
    %dma_start3A_196 = tpu.memref_squeeze %dma_start3A_195 : memref<1x6400xf32, #tpu.memory_space<hbm>> -> memref<6400xf32, #tpu.memory_space<hbm>>
    tpu.enqueue_dma source(%arg9 : memref<6400xf32, #tpu.memory_space<vmem>>) target(%dma_start3A_196 : memref<6400xf32, #tpu.memory_space<hbm>>) target_semaphore(%arg11 : memref<!tpu.dma_semaphore, #tpu.memory_space<semaphore_mem>>)
    %dma_wait3A = arith.constant 0 : i32
    %dma_wait3A_197 = tpu.memref_slice %arg6[%add3A, %dma_wait3A] : memref<32x6400xf32, #tpu.memory_space<hbm>> -> memref<1x6400xf32, #tpu.memory_space<hbm>>
    %dma_wait3A_198 = tpu.memref_squeeze %dma_wait3A_197 : memref<1x6400xf32, #tpu.memory_space<hbm>> -> memref<6400xf32, #tpu.memory_space<hbm>>
    %dma_wait3A_199 = arith.constant 0 : i32
    %dma_wait3A_200 = tpu.memref_slice %arg6[%add3A, %dma_wait3A_199] : memref<32x6400xf32, #tpu.memory_space<hbm>> -> memref<1x6400xf32, #tpu.memory_space<hbm>>
    %dma_wait3A_201 = tpu.memref_squeeze %dma_wait3A_200 : memref<1x6400xf32, #tpu.memory_space<hbm>> -> memref<6400xf32, #tpu.memory_space<hbm>>
    tpu.wait_dma2 semaphore(%arg11 : memref<!tpu.dma_semaphore, #tpu.memory_space<semaphore_mem>>) src(%arg9 : memref<6400xf32, #tpu.memory_space<vmem>>) dst(%dma_wait3A_201 : memref<6400xf32, #tpu.memory_space<hbm>>)
    %dma_start3A_202 = arith.constant 0 : i32
    %dma_start3A_203 = arith.constant 0 : i32
    %dma_start3A_204 = arith.constant 0 : i32
    %dma_start3A_205 = arith.constant 0 : i32
    %dma_start3A_206 = tpu.memref_slice %arg10[%dma_start3A_203, %dma_start3A_204, %dma_start3A_205] : memref<2x128x128xf32, #tpu.memory_space<vmem>> -> memref<1x128x128xf32, #tpu.memory_space<vmem>>
    %dma_start3A_207 = tpu.memref_squeeze %dma_start3A_206 : memref<1x128x128xf32, #tpu.memory_space<vmem>> -> memref<128x128xf32, #tpu.memory_space<vmem>>
    %dma_start3A_208 = arith.constant 0 : i32
    %dma_start3A_209 = tpu.memref_slice %arg7[%dma_start3A_202, %dma_start3A_208] : memref<50x128xi32, #tpu.memory_space<vmem>> -> memref<1x128xi32, #tpu.memory_space<vmem>>
    %dma_start3A_210 = tpu.memref_squeeze %dma_start3A_209 : memref<1x128xi32, #tpu.memory_space<vmem>> -> memref<128xi32, #tpu.memory_space<vmem>>
    %dma_start3A_211 = arith.constant 0 : i32
    %dma_start3A_212 = arith.constant 0 : i32
    %dma_start3A_213 = tpu.memref_slice %arg4[%dma_start3A_211, %dma_start3A_212] : memref<100004x128xf32, #tpu.memory_space<hbm>> -> memref<100004x128xf32, #tpu.memory_space<hbm>>
    tpu.enqueue_indirect_dma source(%dma_start3A_213 : memref<100004x128xf32, #tpu.memory_space<hbm>>) target(%dma_start3A_207 : memref<128x128xf32, #tpu.memory_space<vmem>>) offsets(%dma_start3A_210 : memref<128xi32, #tpu.memory_space<vmem>>) semaphore(%arg11 : memref<!tpu.dma_semaphore, #tpu.memory_space<semaphore_mem>>)
    %dma_start3A_214 = arith.constant 1 : i32
    %dma_start3A_215 = arith.constant 1 : i32
    %dma_start3A_216 = arith.constant 0 : i32
    %dma_start3A_217 = arith.constant 0 : i32
    %dma_start3A_218 = tpu.memref_slice %arg10[%dma_start3A_215, %dma_start3A_216, %dma_start3A_217] : memref<2x128x128xf32, #tpu.memory_space<vmem>> -> memref<1x128x128xf32, #tpu.memory_space<vmem>>
    %dma_start3A_219 = tpu.memref_squeeze %dma_start3A_218 : memref<1x128x128xf32, #tpu.memory_space<vmem>> -> memref<128x128xf32, #tpu.memory_space<vmem>>
    %dma_start3A_220 = arith.constant 0 : i32
    %dma_start3A_221 = tpu.memref_slice %arg7[%dma_start3A_214, %dma_start3A_220] : memref<50x128xi32, #tpu.memory_space<vmem>> -> memref<1x128xi32, #tpu.memory_space<vmem>>
    %dma_start3A_222 = tpu.memref_squeeze %dma_start3A_221 : memref<1x128xi32, #tpu.memory_space<vmem>> -> memref<128xi32, #tpu.memory_space<vmem>>
    %dma_start3A_223 = arith.constant 0 : i32
    %dma_start3A_224 = arith.constant 0 : i32
    %dma_start3A_225 = tpu.memref_slice %arg4[%dma_start3A_223, %dma_start3A_224] : memref<100004x128xf32, #tpu.memory_space<hbm>> -> memref<100004x128xf32, #tpu.memory_space<hbm>>
    tpu.enqueue_indirect_dma source(%dma_start3A_225 : memref<100004x128xf32, #tpu.memory_space<hbm>>) target(%dma_start3A_219 : memref<128x128xf32, #tpu.memory_space<vmem>>) offsets(%dma_start3A_222 : memref<128xi32, #tpu.memory_space<vmem>>) semaphore(%arg12 : memref<!tpu.dma_semaphore, #tpu.memory_space<semaphore_mem>>)
    %scan3A_226 = arith.constant 0 : i32
    %scan3A_227 = arith.constant 0 : i32
    %scan3A_228 = arith.constant 25 : i32
    %scan3A_229 = arith.addi %scan3A_227, %scan3A_228 : i32
    %scan3A_230 = arith.constant 1 : i32
    scf.for %scan3A_232 = %scan3A_227 to %scan3A_229 step %scan3A_230  : i32 {
      %mul3A_233 = arith.constant 2 : i32
      %mul3A_234 = arith.muli %scan3A_232, %mul3A_233 : i32
      %add3A_235 = arith.constant 0 : i32
      %add3A_236 = arith.addi %mul3A_234, %add3A_235 : i32
      %dma_wait3A_237 = arith.constant 0 : i32
      %dma_wait3A_238 = arith.constant 0 : i32
      %dma_wait3A_239 = arith.constant 0 : i32
      %dma_wait3A_240 = tpu.memref_slice %arg10[%dma_wait3A_237, %dma_wait3A_238, %dma_wait3A_239] : memref<2x128x128xf32, #tpu.memory_space<vmem>> -> memref<1x128x128xf32, #tpu.memory_space<vmem>>
      %dma_wait3A_241 = tpu.memref_squeeze %dma_wait3A_240 : memref<1x128x128xf32, #tpu.memory_space<vmem>> -> memref<128x128xf32, #tpu.memory_space<vmem>>
      %dma_wait3A_242 = arith.constant 0 : i32
      %dma_wait3A_243 = tpu.memref_slice %arg7[%add3A_236, %dma_wait3A_242] : memref<50x128xi32, #tpu.memory_space<vmem>> -> memref<1x128xi32, #tpu.memory_space<vmem>>
      %dma_wait3A_244 = tpu.memref_squeeze %dma_wait3A_243 : memref<1x128xi32, #tpu.memory_space<vmem>> -> memref<128xi32, #tpu.memory_space<vmem>>
      %dma_wait3A_245 = arith.constant 0 : i32
      %dma_wait3A_246 = arith.constant 0 : i32
      %dma_wait3A_247 = tpu.memref_slice %arg4[%dma_wait3A_245, %dma_wait3A_246] : memref<100004x128xf32, #tpu.memory_space<hbm>> -> memref<100004x128xf32, #tpu.memory_space<hbm>>
      tpu.wait_indirect_dma semaphore(%arg11 : memref<!tpu.dma_semaphore, #tpu.memory_space<semaphore_mem>>) src(%dma_wait3A_247 : memref<100004x128xf32, #tpu.memory_space<hbm>>) dst(%dma_wait3A_241 : memref<128x128xf32, #tpu.memory_space<vmem>>)
      %mul3A_248 = arith.constant 6400 : i32
      %mul3A_249 = arith.muli %add3A, %mul3A_248 : i32
      %mul3A_250 = arith.constant 128 : i32
      %mul3A_251 = arith.muli %add3A_236, %mul3A_250 : i32
      %add3A_252 = arith.addi %mul3A_249, %mul3A_251 : i32
      %run_scoped3A = arith.constant 0 : i32
      "tpu.region"() ({
        %run_scoped3A_286 = tpu.sem_alloc : memref<!tpu.dma_semaphore, #tpu.memory_space<semaphore_mem>>
        %dma_start3A_287 = arith.constant 0 : i32
        %dma_start3A_288 = arith.constant 0 : i32
        %dma_start3A_289 = tpu.memref_slice %arg10[%run_scoped3A, %dma_start3A_287, %dma_start3A_288] : memref<2x128x128xf32, #tpu.memory_space<vmem>> -> memref<1x128x128xf32, #tpu.memory_space<vmem>>
        %dma_start3A_290 = tpu.memref_squeeze %dma_start3A_289 : memref<1x128x128xf32, #tpu.memory_space<vmem>> -> memref<128x128xf32, #tpu.memory_space<vmem>>
        %dma_start3A_291 = arith.constant 0 : i32
        %dma_start3A_292 = tpu.memref_slice %arg5[%add3A_252, %dma_start3A_291] : memref<204800x128xf32, #tpu.memory_space<hbm>> -> memref<128x128xf32, #tpu.memory_space<hbm>>
        %dma_start3A_293 = arith.constant 0 : i32
        %dma_start3A_294 = tpu.memref_slice %arg5[%add3A_252, %dma_start3A_293] : memref<204800x128xf32, #tpu.memory_space<hbm>> -> memref<128x128xf32, #tpu.memory_space<hbm>>
        %dma_start3A_295 = arith.constant 0 : i32
        %dma_start3A_296 = arith.constant 0 : i32
        %dma_start3A_297 = tpu.memref_slice %arg10[%run_scoped3A, %dma_start3A_295, %dma_start3A_296] : memref<2x128x128xf32, #tpu.memory_space<vmem>> -> memref<1x128x128xf32, #tpu.memory_space<vmem>>
        %dma_start3A_298 = tpu.memref_squeeze %dma_start3A_297 : memref<1x128x128xf32, #tpu.memory_space<vmem>> -> memref<128x128xf32, #tpu.memory_space<vmem>>
        tpu.enqueue_dma source(%dma_start3A_298 : memref<128x128xf32, #tpu.memory_space<vmem>>) target(%dma_start3A_294 : memref<128x128xf32, #tpu.memory_space<hbm>>) target_semaphore(%run_scoped3A_286 : memref<!tpu.dma_semaphore, #tpu.memory_space<semaphore_mem>>)
        %dma_wait3A_299 = arith.constant 0 : i32
        %dma_wait3A_300 = arith.constant 0 : i32
        %dma_wait3A_301 = tpu.memref_slice %arg10[%run_scoped3A, %dma_wait3A_299, %dma_wait3A_300] : memref<2x128x128xf32, #tpu.memory_space<vmem>> -> memref<1x128x128xf32, #tpu.memory_space<vmem>>
        %dma_wait3A_302 = tpu.memref_squeeze %dma_wait3A_301 : memref<1x128x128xf32, #tpu.memory_space<vmem>> -> memref<128x128xf32, #tpu.memory_space<vmem>>
        %dma_wait3A_303 = arith.constant 0 : i32
        %dma_wait3A_304 = tpu.memref_slice %arg5[%add3A_252, %dma_wait3A_303] : memref<204800x128xf32, #tpu.memory_space<hbm>> -> memref<128x128xf32, #tpu.memory_space<hbm>>
        %dma_wait3A_305 = arith.constant 0 : i32
        %dma_wait3A_306 = tpu.memref_slice %arg5[%add3A_252, %dma_wait3A_305] : memref<204800x128xf32, #tpu.memory_space<hbm>> -> memref<128x128xf32, #tpu.memory_space<hbm>>
        %dma_wait3A_307 = arith.constant 0 : i32
        %dma_wait3A_308 = arith.constant 0 : i32
        %dma_wait3A_309 = tpu.memref_slice %arg10[%run_scoped3A, %dma_wait3A_307, %dma_wait3A_308] : memref<2x128x128xf32, #tpu.memory_space<vmem>> -> memref<1x128x128xf32, #tpu.memory_space<vmem>>
        %dma_wait3A_310 = tpu.memref_squeeze %dma_wait3A_309 : memref<1x128x128xf32, #tpu.memory_space<vmem>> -> memref<128x128xf32, #tpu.memory_space<vmem>>
        tpu.wait_dma2 semaphore(%run_scoped3A_286 : memref<!tpu.dma_semaphore, #tpu.memory_space<semaphore_mem>>) src(%dma_wait3A_310 : memref<128x128xf32, #tpu.memory_space<vmem>>) dst(%dma_wait3A_306 : memref<128x128xf32, #tpu.memory_space<hbm>>)
        tpu.yield
      }) : () -> ()
      %add3A_253 = arith.constant 2 : i32
      %add3A_254 = arith.addi %add3A_236, %add3A_253 : i32
      %lt3A_255 = arith.constant 50 : i32
      %lt3A_256 = arith.cmpi slt, %add3A_254, %lt3A_255 : i32
      %convert_element_type3A = arith.extui %lt3A_256 : i1 to i32
      %cond3A = arith.constant 0 : i32
      %cond3A_257 = arith.cmpi ne, %convert_element_type3A, %cond3A : i32
      scf.if %cond3A_257 {
        %dma_start3A_286 = arith.constant 0 : i32
        %dma_start3A_287 = arith.constant 0 : i32
        %dma_start3A_288 = arith.constant 0 : i32
        %dma_start3A_289 = tpu.memref_slice %arg10[%dma_start3A_286, %dma_start3A_287, %dma_start3A_288] : memref<2x128x128xf32, #tpu.memory_space<vmem>> -> memref<1x128x128xf32, #tpu.memory_space<vmem>>
        %dma_start3A_290 = tpu.memref_squeeze %dma_start3A_289 : memref<1x128x128xf32, #tpu.memory_space<vmem>> -> memref<128x128xf32, #tpu.memory_space<vmem>>
        %dma_start3A_291 = arith.constant 0 : i32
        %dma_start3A_292 = tpu.memref_slice %arg7[%add3A_254, %dma_start3A_291] : memref<50x128xi32, #tpu.memory_space<vmem>> -> memref<1x128xi32, #tpu.memory_space<vmem>>
        %dma_start3A_293 = tpu.memref_squeeze %dma_start3A_292 : memref<1x128xi32, #tpu.memory_space<vmem>> -> memref<128xi32, #tpu.memory_space<vmem>>
        %dma_start3A_294 = arith.constant 0 : i32
        %dma_start3A_295 = arith.constant 0 : i32
        %dma_start3A_296 = tpu.memref_slice %arg4[%dma_start3A_294, %dma_start3A_295] : memref<100004x128xf32, #tpu.memory_space<hbm>> -> memref<100004x128xf32, #tpu.memory_space<hbm>>
        tpu.enqueue_indirect_dma source(%dma_start3A_296 : memref<100004x128xf32, #tpu.memory_space<hbm>>) target(%dma_start3A_290 : memref<128x128xf32, #tpu.memory_space<vmem>>) offsets(%dma_start3A_293 : memref<128xi32, #tpu.memory_space<vmem>>) semaphore(%arg11 : memref<!tpu.dma_semaphore, #tpu.memory_space<semaphore_mem>>)
      } else {
      }
      %mul3A_258 = arith.constant 2 : i32
      %mul3A_259 = arith.muli %scan3A_232, %mul3A_258 : i32
      %add3A_260 = arith.constant 1 : i32
      %add3A_261 = arith.addi %mul3A_259, %add3A_260 : i32
      %dma_wait3A_262 = arith.constant 1 : i32
      %dma_wait3A_263 = arith.constant 0 : i32
      %dma_wait3A_264 = arith.constant 0 : i32
      %dma_wait3A_265 = tpu.memref_slice %arg10[%dma_wait3A_262, %dma_wait3A_263, %dma_wait3A_264] : memref<2x128x128xf32, #tpu.memory_space<vmem>> -> memref<1x128x128xf32, #tpu.memory_space<vmem>>
      %dma_wait3A_266 = tpu.memref_squeeze %dma_wait3A_265 : memref<1x128x128xf32, #tpu.memory_space<vmem>> -> memref<128x128xf32, #tpu.memory_space<vmem>>
      %dma_wait3A_267 = arith.constant 0 : i32
      %dma_wait3A_268 = tpu.memref_slice %arg7[%add3A_261, %dma_wait3A_267] : memref<50x128xi32, #tpu.memory_space<vmem>> -> memref<1x128xi32, #tpu.memory_space<vmem>>
      %dma_wait3A_269 = tpu.memref_squeeze %dma_wait3A_268 : memref<1x128xi32, #tpu.memory_space<vmem>> -> memref<128xi32, #tpu.memory_space<vmem>>
      %dma_wait3A_270 = arith.constant 0 : i32
      %dma_wait3A_271 = arith.constant 0 : i32
      %dma_wait3A_272 = tpu.memref_slice %arg4[%dma_wait3A_270, %dma_wait3A_271] : memref<100004x128xf32, #tpu.memory_space<hbm>> -> memref<100004x128xf32, #tpu.memory_space<hbm>>
      tpu.wait_indirect_dma semaphore(%arg12 : memref<!tpu.dma_semaphore, #tpu.memory_space<semaphore_mem>>) src(%dma_wait3A_272 : memref<100004x128xf32, #tpu.memory_space<hbm>>) dst(%dma_wait3A_266 : memref<128x128xf32, #tpu.memory_space<vmem>>)
      %mul3A_273 = arith.constant 6400 : i32
      %mul3A_274 = arith.muli %add3A, %mul3A_273 : i32
      %mul3A_275 = arith.constant 128 : i32
      %mul3A_276 = arith.muli %add3A_261, %mul3A_275 : i32
      %add3A_277 = arith.addi %mul3A_274, %mul3A_276 : i32
      %run_scoped3A_278 = arith.constant 1 : i32
      "tpu.region"() ({
        %run_scoped3A_286 = tpu.sem_alloc : memref<!tpu.dma_semaphore, #tpu.memory_space<semaphore_mem>>
        %dma_start3A_287 = arith.constant 0 : i32
        %dma_start3A_288 = arith.constant 0 : i32
        %dma_start3A_289 = tpu.memref_slice %arg10[%run_scoped3A_278, %dma_start3A_287, %dma_start3A_288] : memref<2x128x128xf32, #tpu.memory_space<vmem>> -> memref<1x128x128xf32, #tpu.memory_space<vmem>>
        %dma_start3A_290 = tpu.memref_squeeze %dma_start3A_289 : memref<1x128x128xf32, #tpu.memory_space<vmem>> -> memref<128x128xf32, #tpu.memory_space<vmem>>
        %dma_start3A_291 = arith.constant 0 : i32
        %dma_start3A_292 = tpu.memref_slice %arg5[%add3A_277, %dma_start3A_291] : memref<204800x128xf32, #tpu.memory_space<hbm>> -> memref<128x128xf32, #tpu.memory_space<hbm>>
        %dma_start3A_293 = arith.constant 0 : i32
        %dma_start3A_294 = tpu.memref_slice %arg5[%add3A_277, %dma_start3A_293] : memref<204800x128xf32, #tpu.memory_space<hbm>> -> memref<128x128xf32, #tpu.memory_space<hbm>>
        %dma_start3A_295 = arith.constant 0 : i32
        %dma_start3A_296 = arith.constant 0 : i32
        %dma_start3A_297 = tpu.memref_slice %arg10[%run_scoped3A_278, %dma_start3A_295, %dma_start3A_296] : memref<2x128x128xf32, #tpu.memory_space<vmem>> -> memref<1x128x128xf32, #tpu.memory_space<vmem>>
        %dma_start3A_298 = tpu.memref_squeeze %dma_start3A_297 : memref<1x128x128xf32, #tpu.memory_space<vmem>> -> memref<128x128xf32, #tpu.memory_space<vmem>>
        tpu.enqueue_dma source(%dma_start3A_298 : memref<128x128xf32, #tpu.memory_space<vmem>>) target(%dma_start3A_294 : memref<128x128xf32, #tpu.memory_space<hbm>>) target_semaphore(%run_scoped3A_286 : memref<!tpu.dma_semaphore, #tpu.memory_space<semaphore_mem>>)
        %dma_wait3A_299 = arith.constant 0 : i32
        %dma_wait3A_300 = arith.constant 0 : i32
        %dma_wait3A_301 = tpu.memref_slice %arg10[%run_scoped3A_278, %dma_wait3A_299, %dma_wait3A_300] : memref<2x128x128xf32, #tpu.memory_space<vmem>> -> memref<1x128x128xf32, #tpu.memory_space<vmem>>
        %dma_wait3A_302 = tpu.memref_squeeze %dma_wait3A_301 : memref<1x128x128xf32, #tpu.memory_space<vmem>> -> memref<128x128xf32, #tpu.memory_space<vmem>>
        %dma_wait3A_303 = arith.constant 0 : i32
        %dma_wait3A_304 = tpu.memref_slice %arg5[%add3A_277, %dma_wait3A_303] : memref<204800x128xf32, #tpu.memory_space<hbm>> -> memref<128x128xf32, #tpu.memory_space<hbm>>
        %dma_wait3A_305 = arith.constant 0 : i32
        %dma_wait3A_306 = tpu.memref_slice %arg5[%add3A_277, %dma_wait3A_305] : memref<204800x128xf32, #tpu.memory_space<hbm>> -> memref<128x128xf32, #tpu.memory_space<hbm>>
        %dma_wait3A_307 = arith.constant 0 : i32
        %dma_wait3A_308 = arith.constant 0 : i32
        %dma_wait3A_309 = tpu.memref_slice %arg10[%run_scoped3A_278, %dma_wait3A_307, %dma_wait3A_308] : memref<2x128x128xf32, #tpu.memory_space<vmem>> -> memref<1x128x128xf32, #tpu.memory_space<vmem>>
        %dma_wait3A_310 = tpu.memref_squeeze %dma_wait3A_309 : memref<1x128x128xf32, #tpu.memory_space<vmem>> -> memref<128x128xf32, #tpu.memory_space<vmem>>
        tpu.wait_dma2 semaphore(%run_scoped3A_286 : memref<!tpu.dma_semaphore, #tpu.memory_space<semaphore_mem>>) src(%dma_wait3A_310 : memref<128x128xf32, #tpu.memory_space<vmem>>) dst(%dma_wait3A_306 : memref<128x128xf32, #tpu.memory_space<hbm>>)
        tpu.yield
      }) : () -> ()
      %add3A_279 = arith.constant 2 : i32
      %add3A_280 = arith.addi %add3A_261, %add3A_279 : i32
      %lt3A_281 = arith.constant 50 : i32
      %lt3A_282 = arith.cmpi slt, %add3A_280, %lt3A_281 : i32
      %convert_element_type3A_283 = arith.extui %lt3A_282 : i1 to i32
      %cond3A_284 = arith.constant 0 : i32
      %cond3A_285 = arith.cmpi ne, %convert_element_type3A_283, %cond3A_284 : i32
      scf.if %cond3A_285 {
        %dma_start3A_286 = arith.constant 1 : i32
        %dma_start3A_287 = arith.constant 0 : i32
        %dma_start3A_288 = arith.constant 0 : i32
        %dma_start3A_289 = tpu.memref_slice %arg10[%dma_start3A_286, %dma_start3A_287, %dma_start3A_288] : memref<2x128x128xf32, #tpu.memory_space<vmem>> -> memref<1x128x128xf32, #tpu.memory_space<vmem>>
        %dma_start3A_290 = tpu.memref_squeeze %dma_start3A_289 : memref<1x128x128xf32, #tpu.memory_space<vmem>> -> memref<128x128xf32, #tpu.memory_space<vmem>>
        %dma_start3A_291 = arith.constant 0 : i32
        %dma_start3A_292 = tpu.memref_slice %arg7[%add3A_280, %dma_start3A_291] : memref<50x128xi32, #tpu.memory_space<vmem>> -> memref<1x128xi32, #tpu.memory_space<vmem>>
        %dma_start3A_293 = tpu.memref_squeeze %dma_start3A_292 : memref<1x128xi32, #tpu.memory_space<vmem>> -> memref<128xi32, #tpu.memory_space<vmem>>
        %dma_start3A_294 = arith.constant 0 : i32
        %dma_start3A_295 = arith.constant 0 : i32
        %dma_start3A_296 = tpu.memref_slice %arg4[%dma_start3A_294, %dma_start3A_295] : memref<100004x128xf32, #tpu.memory_space<hbm>> -> memref<100004x128xf32, #tpu.memory_space<hbm>>
        tpu.enqueue_indirect_dma source(%dma_start3A_296 : memref<100004x128xf32, #tpu.memory_space<hbm>>) target(%dma_start3A_290 : memref<128x128xf32, #tpu.memory_space<vmem>>) offsets(%dma_start3A_293 : memref<128xi32, #tpu.memory_space<vmem>>) semaphore(%arg12 : memref<!tpu.dma_semaphore, #tpu.memory_space<semaphore_mem>>)
      } else {
      }
    }
    %scan3A_231 = arith.constant 25 : i32
    return
  }
}

</mosaic_0001>

<sc_bundles>
// kernel: kernel.3.cloned.1.call-start
scs
__scs_entry_jumppad:
0x0: {  	(pc) =	sbr.rel $0x88, $3  }
0x1: {  	(tag) =	ssettag $0x0;
	lr =	simm.s32 $0x1  }
0x2: {  	[smem:$0x3F9E] =	sst lr;
	_ =	strace $0xD0000000  }
0x3: {  	_ = 	snop  }
0x4: {  	_ = 	snop  }
0x5: {  	_ = 	snop  }
0x6: {  	_ = 	snop  }
0x7: {  	_ = 	snop  }
__scs_overlays_trampoline_lowered:
0x8: {  	[smem:$0x3FAD] =	sst s0  }
0x9: {  	[smem:$0x3FAE] =	sst s1  }
0xa: {  	[smem:$0x3FAF] =	sst s2  }
0xb: {  	[smem:$0x3FB0] =	sst s3  }
0xc: {  	[smem:$0x3FB1] =	sst s4  }
0xd: {  	[smem:$0x3FB2] =	sst s5  }
0xe: {  	[smem:$0x3FB3] =	sst s6  }
0xf: {  	[smem:$0x3FB4] =	sst s7  }
0x10: {  	[smem:$0x3FB5] =	sst s8  }
0x11: {  	[smem:$0x3FB6] =	sst s9;
	s0 =	simm.s32 @!p0 $0x0  }
0x12: {  	s1 =	sld [smem:$0x3F9C];
	s0 =	simm.s32 @p0 $0x1  }
0x13: {  	[smem:$0x3FB7] =	sst s0;
	s0 =	simm.s32 @!p1 $0x0  }
0x14: {  	s2 =	sld [smem:$0x3F9B];
	s0 =	simm.s32 @p1 $0x1  }
0x15: {  	[smem:$0x3FB8] =	sst s0;
	s0 =	simm.s32 @!p2 $0x0  }
0x16: {  	s3 =	sld [smem:$0x3FDB];
	s0 =	simm.s32 @p2 $0x1  }
0x17: {  	s4 =	simm.s32 $0x1BF5;
	[smem:$0x3FBA] =	sst s0  }
0x18: {  	s0 =	sld [smem:$0x3F9D];
	_ =	swait.ge [sflag:s4], $0x0  }
0x19: {  	s7 =	sld [smem:$0x3F9E]  }
0x1a: {  	s8 =	sadd.s32 $0xFFFFE003, lr  }
0x1b: {  	s9 =	sadd.s32 $0xFFFFFEF7, lr;
	s5 =	simm.s32 $0xFFFFFFFF;
	p2 =	slt.u32 s8, $0xFFFFF086  }
0x1c: {  	p1 =	slt.u32 s9, $0xF7A;
	s5 =	simm.s32 @!p2 $0x0  }
0x1d: {  	s5 =	simm.s32 @p1 $0x1;
	p0 =	seq.s32 s7, s2  }
0x1e: {  	s7 =	smul.u32 @!p0 $0xF7A, s2;
	p2 =	seq.s32 @!p0 s5, $0x0  }
0x1f: {  	s9 =	smul.u32 $0xF7A, s1;
	s8 =	simm.s32 @!p0 $0x1BF5;
	p2 =	por !p2, p0  }
0x20: {  	[sflag:s8] =	ssyncset.s32 @!p0 $0xFFFFF086;
	s6 =	sadd.s32 @!p0 s3, s7;
	s7 =	simm.s32 @!p0 $0x108  }
0x21: {  	s3 =	sadd.s32 s3, s9;
	s6 =	sadd.s32 @!p0 $0x88, s6;
	s7 =	simm.s32 @p2 $0x1082  }
0x22: {  	[simem:s7], [sflag:s8] =	dma.local @!p0 [hbm:s6], $0xF7A  }
0x23: {  	s9 =	sor.u32 $0xD0000000, s2;
	s6 =	simm.s32 $0x108;
	_ =	swait.ge @!p0 [sflag:s8], $0x0  }
0x24: {  	s3 =	sadd.s32 $0x88, s3;
	s6 =	simm.s32 @!p1 $0x1082;
	[sflag:s4] =	ssyncset.s32 $0xFFFFF086  }
0x25: {  	[simem:s6], [sflag:s4] =	dma.local [hbm:s3], $0xF7A  }
0x26: {  	[smem:$0x3F9E] =	sst s1;
	(tag) =	ssettag s2;
	_ =	strace s9  }
0x27: {  	s1 =	sld [smem:$0x3FAE]  }
0x28: {  	s2 =	sld [smem:$0x3FAF]  }
0x29: {  	s4 =	sld [smem:$0x3FB1]  }
0x2a: {  	p0 =	seq.s32 s5, $0x0;
	s5 =	sld [smem:$0x3FB2]  }
0x2b: {  	s6 =	sld [smem:$0x3FB3]  }
0x2c: {  	s7 =	sld [smem:$0x3FB4]  }
0x2d: {  	s3 =	simm.s32 $0x108;
	s8 =	sld [smem:$0x3FB5]  }
0x2e: {  	s3 =	simm.s32 @!p0 $0x1082;
	s9 =	sld [smem:$0x3FB6]  }
0x2f: {  	lr =	sadd.s32 s0, s3;
	s0 =	sld [smem:$0x3FAD]  }
0x30: {  	s3 =	sld [smem:$0x3FB0]  }
0x31: {  	[smem:$0x3FB9] =	sst s10  }
0x32: {  	s10 =	sld [smem:$0x3FB7];
	_ =	sdelay $0x3  }
0x33: {  	p0 =	seq.s32 s10, $0x1;
	s10 =	sld [smem:$0x3FB9];
	_ =	sdelay $0x3  }
0x34: {  	[smem:$0x3FB9] =	sst s10  }
0x35: {  	s10 =	sld [smem:$0x3FB8];
	_ =	sdelay $0x3  }
0x36: {  	p1 =	seq.s32 s10, $0x1;
	s10 =	sld [smem:$0x3FB9];
	_ =	sdelay $0x3  }
0x37: {  	[smem:$0x3FB9] =	sst s10  }
0x38: {  	s10 =	sld [smem:$0x3FBA]  }
0x39: {  	_ = 	snop;
	(pc) =	sbr.ind lr, $3  }
0x3a: {  	_ = 	snop  }
0x3b: {  	_ = 	snop  }
0x3c: {  	p2 =	seq.s32 s10, $0x1;
	s10 =	sld [smem:$0x3FB9]  }
0x3d: {  	_ =	shalt  }
0x3e: {  	_ =	shalt  }
0x3f: {  	_ =	shalt  }
0x40: {  	_ =	shalt  }
0x41: {  	_ =	shalt  }
0x42: {  	_ =	shalt  }
0x43: {  	_ =	shalt  }
0x44: {  	_ =	shalt  }
0x45: {  	_ =	shalt  }
0x46: {  	_ =	shalt  }
0x47: {  	_ =	shalt  }
0x48: {  	_ =	shalt  }
0x49: {  	_ =	shalt  }
0x4a: {  	_ =	shalt  }
0x4b: {  	_ =	shalt  }
0x4c: {  	_ =	shalt  }
0x4d: {  	_ =	shalt  }
0x4e: {  	_ =	shalt  }
0x4f: {  	_ =	shalt  }
0x50: {  	_ =	shalt  }
0x51: {  	_ =	shalt  }
0x52: {  	_ =	shalt  }
0x53: {  	_ =	shalt  }
0x54: {  	_ =	shalt  }
0x55: {  	_ =	shalt  }
0x56: {  	_ =	shalt  }
0x57: {  	_ =	shalt  }
0x58: {  	_ =	shalt  }
0x59: {  	_ =	shalt  }
0x5a: {  	_ =	shalt  }
0x5b: {  	_ =	shalt  }
0x5c: {  	_ =	shalt  }
0x5d: {  	_ =	shalt  }
0x5e: {  	_ =	shalt  }
0x5f: {  	_ =	shalt  }
0x60: {  	_ =	shalt  }
0x61: {  	_ =	shalt  }
0x62: {  	_ =	shalt  }
0x63: {  	_ =	shalt  }
0x64: {  	_ =	shalt  }
0x65: {  	_ =	shalt  }
0x66: {  	_ =	shalt  }
0x67: {  	_ =	shalt  }
0x68: {  	_ =	shalt  }
0x69: {  	_ =	shalt  }
0x6a: {  	_ =	shalt  }
0x6b: {  	_ =	shalt  }
0x6c: {  	_ =	shalt  }
0x6d: {  	_ =	shalt  }
0x6e: {  	_ =	shalt  }
0x6f: {  	_ =	shalt  }
0x70: {  	_ =	shalt  }
0x71: {  	_ =	shalt  }
0x72: {  	_ =	shalt  }
0x73: {  	_ =	shalt  }
0x74: {  	_ =	shalt  }
0x75: {  	_ =	shalt  }
0x76: {  	_ =	shalt  }
0x77: {  	_ =	shalt  }
0x78: {  	_ =	shalt  }
0x79: {  	_ =	shalt  }
0x7a: {  	_ =	shalt  }
0x7b: {  	_ =	shalt  }
0x7c: {  	_ =	shalt  }
0x7d: {  	_ =	shalt  }
0x7e: {  	_ =	shalt  }
0x7f: {  	_ =	shalt  }
0x80: {  	_ =	shalt  }
0x81: {  	_ =	shalt  }
0x82: {  	_ =	shalt  }
0x83: {  	_ =	shalt  }
0x84: {  	_ =	shalt  }
0x85: {  	_ =	shalt  }
0x86: {  	_ =	shalt  }
0x87: {  	_ =	shalt  }
.Lfunc_end0:
.L_simem_size_0:
called_computation_lowered:
.L_overlay_start_0:
0x88: {  	s2 =	sld [smem:$0x3FD9]  }
0x89: {  	s3 =	sld [smem:$0x3FFE];
	_ =	sdelay $0x1  }
0x8a: {  	s1 =	srdreg.scid  }
0x8b: {  	s0 =	sand.u32 $0x1, s1  }
0x8c: {  	s14 =	sshll.u32 s0, $0xA;
	s2 =	sadd.s32 s3, s2  }
0x8d: {  	s2 =	sadd.s32 s2, s14  }
0x8e: {  	[smem:$0x3FC5] =	sst s2  }
0x8f: {  	_ = 	snop  }
0x90: {  	s2 =	sld [smem:$0x3FD0];
	_ =	sdelay $0x1  }
0x91: {  	s15 =	sld [smem:$0x3FC8]  }
0x92: {  	s5 =	simm.s32 $0xA;
	s6 =	simm.s32 $0x10;
	s4 =	sld [smem:$0x3FC7]  }
0x93: {  	[smem:s6], [sflag:s5] =	dma.local [hbm:s2], $0x1  }
0x94: {  	_ =	swait.eq [sflag:s5], $0x1  }
0x95: {  	[sflag:s5] =	ssyncset.done $0x0  }
0x96: {  	s16 =	sld [smem:$0x10];
	[sflag:s5] =	ssyncadd.s32 $0xFFFFFFFF  }
0x97: {  	s17 =	sld [smem:$0x12];
	(tm) =	ssettm $0x1  }
0x98: {  	s18 =	sld [smem:$0x3FFB];
	_ =	sdelay $0x3  }
0x99: {  	_ =	strace s18  }
0x9a: {  	s6 =	sld [smem:$0x3FFC];
	_ =	sdelay $0x3  }
0x9b: {  	_ =	strace s6  }
0x9c: {  	s6 =	sld [smem:$0x3FFD];
	_ =	sdelay $0x3  }
0x9d: {  	_ =	strace s6  }
0x9e: {  	_ =	strace $0x8FFFFFFF  }
0x9f: {  	s19 =	sld [smem:$0x3FDB];
	_ =	sdelay $0x1  }
0xa0: {  	s7 =	simm.s32 $_scs_section_size  }
0xa1: {  	s8 =	simm.s32 $_size__tile_overlayer_lowered;
	s9 =	simm.s32 $_tile_overlayer_lowered  }
0xa2: {  	s22 =	simm.s32 $0x1BFF;
	s21 =	sshll.u32 s9, $0x1;
	s6 =	sadd.s32 s7, s19  }
0xa3: {  	s10 =	simm.s32 $0x0;
	s20 =	sshll.u32 s8, $0x1;
	s8 =	sadd.s32 s21, s6  }
0xa4: {  	[timem:s10], [sflag:s22] =	dma.local [hbm:s8], s20  }
0xa5: {  	_ =	swait.ge [sflag:s22], s20  }
0xa6: {  	s7 =	ssub.s32 $0x0, s20;
	[sflag:s22] =	ssyncset.done $0x0  }
0xa7: {  	[sflag:s22] =	ssyncadd.s32 s7;
	_ =	sdelay $0x1  }
0xa8: {  	s23 =	simm.s32 $0x1B8B  }
0xa9: {  	_ =	swait.ge [sflag:s23], $0x1  }
0xaa: {  	[sflag:s23] =	ssyncset.done $0x0  }
0xab: {  	s25 =	simm.s32 $0x1B8E;
	s24 =	sld [smem:$0x3FFE];
	[sflag:s23] =	ssyncadd.s32 $0xFFFFFFFF  }
0xac: {  	s26 =	simm.s32 $execute0_lowered;
	[smem:$0x3FD2] =	sst s25  }
0xad: {  	s8 =	sshll.u32 s26, $0x1;
	_ =	strace $0x80000046;
	[dreg:$0x1] =	wrdreg $0xFFFFFFFF  }
0xae: {  	s28 =	simm.s32 $_size_execute0_lowered;
	s6 =	sadd.s32 s6, s8;
	[dreg:$0x0] =	wrdreg $0x0  }
0xaf: {  	s8 =	sshll.u32 s28, $0x1;
	[dreg:$0x2] =	wrdreg s6  }
0xb0: {  	[dreg:$0x3] =	wrdreg s8  }
0xb1: {  	[dreg:$0x4] =	wrdreg $0xC0  }
0xb2: {  	_ =	task [dreg:s10], $0x5FFFF  }
0xb3: {  	[dreg:$0x1] =	wrdreg $0xFFFFFFFF  }
0xb4: {  	[dreg:$0x0] =	wrdreg $0x60  }
0xb5: {  	[dreg:$0x2] =	wrdreg s24  }
0xb6: {  	[dreg:$0x3] =	wrdreg s15  }
0xb7: {  	[dreg:$0x4] =	wrdreg s4  }
0xb8: {  	[dreg:$0x5] =	wrdreg s16  }
0xb9: {  	[dreg:$0x6] =	wrdreg s17  }
0xba: {  	[dreg:$0x7] =	wrdreg $0x9  }
0xbb: {  	_ =	task.clear_ibuf [dreg:s10], $0x8FFFF;
	_ =	strace $0x90000046  }
0xbc: {  	s29 =	simm.s32 $0x9;
	_ =	strace $0x80000048  }
0xbd: {  	_ =	swait.ge [sflag:s29], $0x1  }
0xbe: {  	[sflag:s29] =	ssyncadd.s32 $0xFFFFFFFF  }
0xbf: {  	_ =	strace $0x90000048  }
0xc0: {  	_ =	sfence  }
0xc1: {  	s30 =	sld [smem:$0x0];
	_ =	sdelay $0x2  }
0xc2: {  	s31 =	sshll.u32 s1, $0xD;
	s1 =	sshrl.u32 s1, $0x2  }
0xc3: {  	s3 =	sand.u32 $0x4000, s31;
	s1 =	sadd.s32 s1, s30  }
0xc4: {  	s0 =	sor.u32 s3, s0;
	s1 =	sshll.u32 s1, $0x11  }
0xc5: {  	s0 =	sor.u32 s1, s0  }
0xc6: {  	s0 =	sadd.s32 $0x8F2B, s0  }
0xc7: {  	[sflag:s0] =	ssyncadd.remote.s32 $0x1  }
0xc8: {  	_ =	sfence.sel $0xFFFF  }
0xc9: {  	[dreg:$0x0] =	wrdreg $0xFFFFFFFF;
	(pc) =	sbr.abs _section_cstart, $3  }
0xca: {  	[dreg:$0x1] =	wrdreg $0xFFFFFFFF  }
0xcb: {  	_ =	task.clear_ibuf [dreg:s10], $0x2FFFF;
	_ =	strace $0x9FFFFFFF  }
0xcc: {  	(tm) =	ssettm $0x7FFFFFFF  }
0xcd: {  	_ =	shalt  }
tec
execute0_lowered:
.L_overlay_start_1:
0x0: {  	(tag) =	ssettag $0x1  }
0x1: {  	s5 =	rddreg [dreg:$0x0]  }
0x2: {  	s1 =	rddreg [dreg:$0x1]  }
0x3: {  	s2 =	rddreg [dreg:$0x2]  }
0x4: {  	s3 =	srdreg.scid;
	s11 =	rddreg [dreg:$0x3]  }
0x5: {  	s0 =	stileid.u32;
	s6 =	rddreg [dreg:$0x4]  }
0x6: {  	s4 =	simm.s32 $0x0;
	s9 =	sand.u32 $0x1, s3;
	s30 =	sshll.u32 s0, $0x1  }
0x7: {  	s3 =	rddreg [dreg:$0x5];
	s24 =	smul.u32 $0x32000, s0;
	s7 =	sor.u32 s9, s30  }
0x8: {  	[smem:$0x7FF] =	sst s4;
	s8 =	smul.u32 $0x1900, s7  }
0x9: {  	v5 =	vlaneseq.u32;
	s18 =	sshrl.u32 s0, $0x2;
	s26 =	smul.u32 $0x190000, s0;
	s12 =	ssub.s32 $0x2, s9  }
0xa: {  	_ =	strace $0x80000047;
	s29 =	smul.u32 $0xC8000, s9;
	v2 =	vor.u32 s8, v5;
	s14 =	sor.u32 $0x10, s8  }
0xb: {  	s30 =	smul.u32 $0x19000, s9;
	s17 =	sor.u32 $0x20, s8;
	s19 =	sor.u32 $0x30, s8;
	v0 =	vmulhi.u32 $0x51EB851F, v2;
	v3 =	vor.u32 s14, v5  }
0xc: {  	s10 =	smul.u32 $0x380, s7;
	s15 =	sor.u32 $0x40, s8;
	s21 =	sor.u32 $0x60, s8;
	v10 =	vor.u32 s17, v5;
	v11 =	vor.u32 s19, v5;
	v1 =	vmulhi.u32 $0x51EB851F, v3  }
0xd: {  	s13 =	sshrl.u32 s12, $0x1;
	s16 =	sshll.u32 s7, $0x7;
	s22 =	sor.u32 $0x70, s8;
	v12 =	vor.u32 s15, v5;
	v14 =	vor.u32 s21, v5;
	v7 =	vmulhi.u32 $0x51EB851F, v10  }
0xe: {  	s31 =	ssub.s32 s12, s13;
	s13 =	smul.u32 $0xC800, s18;
	s16 =	sand.u32 $0x380, s16;
	v16 =	vor.u32 s22, v5;
	v8 =	vmulhi.u32 $0x51EB851F, v11;
	v0 =	vshrl.u32 v0, $0x6  }
0xf: {  	s12 =	sadd.s32 s29, s26;
	s5 =	sadd.s32 s10, s5;
	s20 =	sor.u32 $0x50, s8;
	v9 =	vmulhi.u32 $0x51EB851F, v14;
	v4 =	vmul.u32 $0xFFFFFF38, v0;
	v1 =	vshrl.u32 v1, $0x6  }
0x10: {  	s18 =	smul.u32 $0x19000, s7;
	s12 =	sshrl.u32 s12, $0x3;
	s5 =	sadd.s32 $0xA00, s5;
	v13 =	vor.u32 s20, v5;
	v17 =	vmulhi.u32 $0x51EB851F, v16;
	v6 =	vmul.u32 $0xFFFFFF38, v1  }
0x11: {  	s17 =	smul.u32 $0xC8000, s7;
	s23 =	sor.u32 s13, s16;
	s7 =	smax.u32 s31, $0x1;
	v2 =	vadd.s32 v2, v4;
	v4 =	vshrl.u32 v7, $0x6;
	v7 =	vmulhi.u32 $0x51EB851F, v13  }
0x12: {  	s31 =	sadd.s32 s18, s11;
	s13 =	sadd.s32 s24, s11;
	s14 =	simm.s32 $0x80;
	v5 =	vshrl.u32 v8, $0x6;
	v3 =	vadd.s32 v3, v6;
	v6 =	vmulhi.u32 $0x51EB851F, v12  }
0x13: {  	s15 =	simm.s32 $0x400;
	s16 =	simm.s32 $0x2000;
	s18 =	simm.s32 $0x3900;
	v8 =	vshrl.u32 v9, $0x6;
	v9 =	vshrl.u32 v17, $0x6;
	v15 =	vmul.u32 $0xFFFFFF38, v4  }
0x14: {  	s19 =	simm.s32 $0x7900;
	s20 =	simm.s32 $0x2;
	s21 =	simm.s32 $0x0;
	v18 =	vmul.u32 $0xFFFFFF38, v5;
	v7 =	vshrl.u32 v7, $0x6;
	v6 =	vshrl.u32 v6, $0x6  }
0x15: {  	s8 =	sshrl.u32 s23, $0x3;
	s9 =	sadd.s32 $0x18800, s31;
	s10 =	sadd.s32 s30, s13;
	v20 =	vmul.u32 $0xFFFFFF38, v7;
	v10 =	vadd.s32 v10, v15;
	v15 =	vmul.u32 $0xFFFFFF38, v8  }
0x16: {  	s13 =	simm.s32 $0x1C00;
	s25 =	sshrl.u32 s17, $0x3;
	s6 =	sadd.s32 s6, s8;
	v17 =	vmul.u32 $0xFFFFFF38, v9;
	v19 =	vmul.u32 $0xFFFFFF38, v6  }
0x17: {  	s10 =	sadd.s32 $0x800, s10;
	s17 =	simm.s32 $0x1;
	s28 =	sadd.s32 s11, s25;
	v11 =	vadd.s32 v11, v18;
	v13 =	vadd.s32 v13, v20;
	v14 =	vadd.s32 v14, v15  }
0x18: {  	s11 =	sadd.s32 s12, s11;
	s12 =	simm.s32 $0x3;
	s8 =	sadd.s32 $0x18000, s28;
	v15 =	vadd.s32 v16, v17;
	v16 =	vimm.f32 $0.0e+00;
	v12 =	vadd.s32 v12, v19  }
.LBB2_1:
0x19: {  	[tilespmem:s4], [sflag:$0x3] =	stream.linear.gather [hbm4b:s5+s4], $0x1900, $0x38;
	[tilespmem:$0xB900] =	vst v63  }
0x1a: {  	_ =	swait.ge [sflag:s12], $0x1900  }
0x1b: {  	[sflag:s12] =	ssyncset.done $0x0  }
0x1c: {  	[sflag:s12] =	ssyncadd.s32 $0xFFFFE700  }
0x1d: {  	[tilespmem:s13], [sflag:$0x3] =	stream.linear.gather [hbm4b:s1+s4], $0x400, $0x38;
	[tilespmem:$0xB900] =	vst v63  }
0x1e: {  	_ =	swait.ge [sflag:s12], $0x400  }
0x1f: {  	[sflag:s12] =	ssyncset.done $0x0  }
0x20: {  	[sflag:s12] =	ssyncadd.s32 $0xFFFFFC00  }
0x21: {  	v17 =	vld.idx.msk [tilespmem:v0+s13+$0x0], $0xffff;
	_ =	sdelay $0x1  }
0x22: {  	v18 =	vld [tilespmem:$0x0];
	_ =	sdelay $0x2  }
0x23: {  	vm0 =	vlt.s32 v2, v17  }
0x24: {  	v17 =	vsel vm0, $0x3F800000, v16  }
0x25: {  	[tilespmem:$0x2000] =	vst v17;
	v17 =	vnsel vm0, $0x186A1, v18  }
0x26: {  	[tilespmem:$0x0] =	vst v17  }
0x27: {  	v17 =	vld.idx.msk [tilespmem:v1+s13+$0x0], $0xffff;
	_ =	sdelay $0x1  }
0x28: {  	v18 =	vld [tilespmem:$0x10];
	_ =	sdelay $0x2  }
0x29: {  	vm9 =	vlt.s32 v3, v17  }
0x2a: {  	v17 =	vsel vm9, $0x3F800000, v16  }
0x2b: {  	[tilespmem:$0x2010] =	vst v17;
	v17 =	vnsel vm9, $0x186A1, v18  }
0x2c: {  	[tilespmem:$0x10] =	vst v17  }
0x2d: {  	v17 =	vld.idx.msk [tilespmem:v4+s13+$0x0], $0xffff;
	_ =	sdelay $0x1  }
0x2e: {  	v18 =	vld [tilespmem:$0x20];
	_ =	sdelay $0x2  }
0x2f: {  	vm10 =	vlt.s32 v10, v17  }
0x30: {  	v17 =	vsel vm10, $0x3F800000, v16  }
0x31: {  	[tilespmem:$0x2020] =	vst v17;
	v17 =	vnsel vm10, $0x186A1, v18  }
0x32: {  	[tilespmem:$0x20] =	vst v17  }
0x33: {  	v17 =	vld.idx.msk [tilespmem:v5+s13+$0x0], $0xffff;
	_ =	sdelay $0x1  }
0x34: {  	v18 =	vld [tilespmem:$0x30];
	_ =	sdelay $0x2  }
0x35: {  	vm11 =	vlt.s32 v11, v17  }
0x36: {  	v17 =	vsel vm11, $0x3F800000, v16  }
0x37: {  	[tilespmem:$0x2030] =	vst v17;
	v17 =	vnsel vm11, $0x186A1, v18  }
0x38: {  	[tilespmem:$0x30] =	vst v17  }
0x39: {  	v17 =	vld.idx.msk [tilespmem:v6+s13+$0x0], $0xffff;
	_ =	sdelay $0x1  }
0x3a: {  	v18 =	vld [tilespmem:$0x40];
	_ =	sdelay $0x2  }
0x3b: {  	vm12 =	vlt.s32 v12, v17  }
0x3c: {  	v17 =	vsel vm12, $0x3F800000, v16  }
0x3d: {  	[tilespmem:$0x2040] =	vst v17;
	v17 =	vnsel vm12, $0x186A1, v18  }
0x3e: {  	[tilespmem:$0x40] =	vst v17  }
0x3f: {  	v17 =	vld.idx.msk [tilespmem:v7+s13+$0x0], $0xffff;
	_ =	sdelay $0x1  }
0x40: {  	v18 =	vld [tilespmem:$0x50];
	_ =	sdelay $0x2  }
0x41: {  	vm13 =	vlt.s32 v13, v17  }
0x42: {  	v17 =	vsel vm13, $0x3F800000, v16  }
0x43: {  	[tilespmem:$0x2050] =	vst v17;
	v17 =	vnsel vm13, $0x186A1, v18  }
0x44: {  	[tilespmem:$0x50] =	vst v17  }
0x45: {  	v17 =	vld.idx.msk [tilespmem:v8+s13+$0x0], $0xffff;
	_ =	sdelay $0x1  }
0x46: {  	v18 =	vld [tilespmem:$0x60];
	_ =	sdelay $0x2  }
0x47: {  	vm14 =	vlt.s32 v14, v17  }
0x48: {  	v17 =	vsel vm14, $0x3F800000, v16  }
0x49: {  	[tilespmem:$0x2060] =	vst v17;
	v17 =	vnsel vm14, $0x186A1, v18  }
0x4a: {  	[tilespmem:$0x60] =	vst v17  }
0x4b: {  	v17 =	vld.idx.msk [tilespmem:v9+s13+$0x0], $0xffff;
	_ =	sdelay $0x1  }
0x4c: {  	v18 =	vld [tilespmem:$0x70];
	_ =	sdelay $0x2  }
0x4d: {  	vm15 =	vlt.s32 v15, v17  }
0x4e: {  	v17 =	vsel vm15, $0x3F800000, v16  }
0x4f: {  	[tilespmem:$0x2070] =	vst v17;
	v17 =	vnsel vm15, $0x186A1, v18  }
0x50: {  	[tilespmem:$0x70] =	vst v17  }
0x51: {  	[hbm4b:s6+s14] =	stream.strided.scatter [tilespmem:s16], [sflag:$0x1], $0x1900, s15, s14, $0x38;
	[tilespmem:$0xB900] =	vst v63  }
0x52: {  	_ =	swait.ge [sflag:s17], $0x1900  }
0x53: {  	[sflag:s17] =	ssyncset.done $0x0  }
0x54: {  	[sflag:s17] =	ssyncadd.s32 $0xFFFFE700  }
0x55: {  	[tilespmem:s18], [sflag:$0x1] =	stream.indirect.gather [hbm4b:s2+s14], $0x80, s4, s14, $0xb8;
	[tilespmem:$0xB900] =	vst v63  }
0x56: {  	_ = 	snop  }
0x57: {  	[tilespmem:s19], [sflag:$0x2] =	stream.indirect.gather [hbm4b:s2+s14], $0x80, s14, s14, $0xb8;
	[tilespmem:$0xB900] =	vst v63  }
0x58: {  	_ =	swait.ge [sflag:s17], $0x4000  }
0x59: {  	[sflag:s17] =	ssyncset.done $0x0  }
0x5a: {  	s22 =	sadd.s32 $0x0, s11;
	[sflag:s17] =	ssyncadd.s32 $0xFFFFC000  }
0x5b: {  	[hbm4b:s22+s4] =	stream.linear.scatter [tilespmem:s18], [sflag:$0x3], $0x4000, $0x38;
	[tilespmem:$0xB900] =	vst v63  }
0x5c: {  	_ =	swait.ge [sflag:s12], $0x4000  }
0x5d: {  	[sflag:s12] =	ssyncset.done $0x0  }
0x5e: {  	s30 =	simm.s32 $0x100;
	[sflag:s12] =	ssyncadd.s32 $0xFFFFC000  }
0x5f: {  	[tilespmem:s18], [sflag:$0x1] =	stream.indirect.gather [hbm4b:s2+s14], $0x80, s30, s14, $0xb8;
	[tilespmem:$0xB900] =	vst v63  }
0x60: {  	_ =	swait.ge [sflag:s20], $0x4000  }
0x61: {  	[sflag:s20] =	ssyncset.done $0x0  }
0x62: {  	s31 =	sadd.s32 $0x0, s10;
	[sflag:s20] =	ssyncadd.s32 $0xFFFFC000  }
0x63: {  	[hbm4b:s31+s4] =	stream.linear.scatter [tilespmem:s19], [sflag:$0x3], $0x4000, $0x38;
	[tilespmem:$0xB900] =	vst v63  }
0x64: {  	_ =	swait.ge [sflag:s12], $0x4000  }
0x65: {  	s23 =	simm.s32 $0x1000;
	[sflag:s12] =	ssyncset.done $0x0  }
0x66: {  	s24 =	simm.s32 $0x280;
	s22 =	simm.s32 $0x180;
	[sflag:s12] =	ssyncadd.s32 $0xFFFFC000  }
.LBB2_2:
0x67: {  	[tilespmem:s19], [sflag:$0x2] =	stream.indirect.gather [hbm4b:s2+s14], $0x80, s22, s14, $0xb8;
	[tilespmem:$0xB900] =	vst v63  }
0x68: {  	s25 =	smov.u32 s23;
	s22 =	smov.u32 s24  }
0x69: {  	p0 =	sne.s32 s23, $0x17000;
	s23 =	sadd.s32 $0x1000, s23;
	_ =	swait.ge [sflag:s17], $0x4000  }
0x6a: {  	[sflag:s17] =	ssyncset.done $0x0  }
0x6b: {  	s26 =	sadd.s32 s25, s11;
	[sflag:s17] =	ssyncadd.s32 $0xFFFFC000  }
0x6c: {  	[hbm4b:s26+s4] =	stream.linear.scatter [tilespmem:s18], [sflag:$0x3], $0x4000, $0x38;
	[tilespmem:$0xB900] =	vst v63  }
0x6d: {  	_ =	swait.ge [sflag:s12], $0x4000  }
0x6e: {  	[sflag:s12] =	ssyncset.done $0x0  }
0x6f: {  	s26 =	sadd.s32 $0xFFFFFF80, s24;
	[sflag:s12] =	ssyncadd.s32 $0xFFFFC000  }
0x70: {  	[tilespmem:s18], [sflag:$0x1] =	stream.indirect.gather [hbm4b:s2+s14], $0x80, s26, s14, $0xb8;
	[tilespmem:$0xB900] =	vst v63  }
0x71: {  	_ =	swait.ge [sflag:s20], $0x4000  }
0x72: {  	[sflag:s20] =	ssyncset.done $0x0  }
.Ltmp0:
0x73: {  	s25 =	sadd.s32 s25, s10;
	[sflag:s20] =	ssyncadd.s32 $0xFFFFC000;
	(pc) =	sbr.rel @p0 .LBB2_2-.Ltmp0, $4  }
0x74: {  	[hbm4b:s25+s4] =	stream.linear.scatter [tilespmem:s19], [sflag:$0x3], $0x4000, $0x38;
	[tilespmem:$0xB900] =	vst v63  }
0x75: {  	_ =	swait.ge [sflag:s12], $0x4000  }
0x76: {  	[sflag:s12] =	ssyncset.done $0x0  }
0x77: {  	s24 =	sadd.s32 $0x100, s24;
	[sflag:s12] =	ssyncadd.s32 $0xFFFFC000  }
0x78: {  	[tilespmem:s19], [sflag:$0x2] =	stream.indirect.gather [hbm4b:s2+s14], $0x80, s22, s14, $0xb8;
	[tilespmem:$0xB900] =	vst v63  }
0x79: {  	_ =	swait.ge [sflag:s17], $0x4000  }
0x7a: {  	[sflag:s17] =	ssyncset.done $0x0  }
0x7b: {  	[sflag:s17] =	ssyncadd.s32 $0xFFFFC000  }
0x7c: {  	[hbm4b:s8+s4] =	stream.linear.scatter [tilespmem:s18], [sflag:$0x3], $0x4000, $0x38;
	[tilespmem:$0xB900] =	vst v63  }
0x7d: {  	_ =	swait.ge [sflag:s12], $0x4000  }
0x7e: {  	[sflag:s12] =	ssyncset.done $0x0  }
0x7f: {  	[sflag:s12] =	ssyncadd.s32 $0xFFFFC000  }
0x80: {  	s21 =	sadd.s32 $0x1, s21;
	_ =	swait.ge [sflag:s20], $0x4000  }
0x81: {  	p0 =	sne.s32 s21, s7;
	[sflag:s20] =	ssyncset.done $0x0  }
.Ltmp1:
0x82: {  	[sflag:s20] =	ssyncadd.s32 $0xFFFFC000;
	(pc) =	sbr.rel @p0 .LBB2_1-.Ltmp1, $4  }
0x83: {  	[hbm4b:s9+s4] =	stream.linear.scatter [tilespmem:s19], [sflag:$0x3], $0x4000, $0x38;
	[tilespmem:$0xB900] =	vst v63  }
0x84: {  	_ =	swait.ge [sflag:s12], $0x4000  }
0x85: {  	[sflag:s12] =	ssyncset.done $0x0  }
0x86: {  	[sflag:s12] =	ssyncadd.s32 $0xFFFFC000  }
0x87: {  	_ =	sfence.sel $0x180000  }
0x88: {  	[bflag:$0x0] =	sbarrier.arrive $0xFFFF  }
0x89: {  	p0 =	sne.s32 s0, $0x0;
	_ =	strace $0x90000047  }
0x8a: {  	s0 =	sadd.s32 @!p0 $0x100000, s3;
	[bflag:$0x2] =	sbarrier.arrive $0xFFFF  }
0x8b: {  	[sflag:s0] =	ssyncadd.tile.s32 @!p0 $0x1;
	_ =	shalt  }
.Lfunc_end2:
_tile_overlayer_lowered:
.L_overlay_start_2:
0x8c: {  	(tag) =	ssettag $0x2  }
0x8d: {  	s0 =	rddreg [dreg:$0x0];
	s2 =	stileid.u32  }
0x8e: {  	s1 =	rddreg [dreg:$0x1];
	p0 =	sne.s32 s2, $0x0  }
0x8f: {  	s3 =	rddreg [dreg:$0x2];
	[bflag:$0x3] =	sbarrier.arrive $0xFFFF;
	s2 =	simm.s32 @!p0 $0x1C03  }
0x90: {  	[timem:s3], [sflag:s2] =	dma.local @!p0 [hbm:s0], s1  }
0x91: {  	s0 =	simm.s32 @!p0 $0x3  }
0x92: {  	_ =	swait.ge @!p0 [sflag:s0], s1  }
0x93: {  	s1 =	ssub.s32 @!p0 $0x0, s1;
	[sflag:s0] =	ssyncset.done @!p0 $0x0  }
0x94: {  	[sflag:s0] =	ssyncadd.s32 @!p0 s1  }
0x95: {  	[bflag:$0x3] =	sbarrier.arrive $0xFFFF  }
0x96: {  	_ =	shalt  }

</sc_bundles>
